<compile_context>
chip_gen: v7x
topology: tpu7x:2x2x1
jax: 0.10.2.dev20260603
libtpu: 0.0.44.dev20260713+nightly
codegen_flags: <defaults>
</compile_context>

<pallas_src>
import functools

import jax
import jax.numpy as jnp
from jax import lax
from jax.experimental import pallas as pl
from jax.experimental.pallas import tpu as pltpu
from jax.experimental.pallas import tpu_sc as plsc

N = 10
L = 16


@functools.cache
def _build_alpha_loss_sc():
    mesh = plsc.VectorSubcoreMesh(
        core_axis_name="c", subcore_axis_name="s", num_cores=1, num_subcores=1
    )

    @functools.partial(
        pl.kernel,
        out_type=jax.ShapeDtypeStruct((1,), jnp.float32),
        mesh=mesh,
        scratch_types=[
            pltpu.VMEM((L,), jnp.float32),
            pltpu.VMEM((L,), jnp.float32),
            pltpu.VMEM((L,), jnp.int32),
            pltpu.VMEM((L,), jnp.float32),
            pltpu.SemaphoreType.DMA,
            pltpu.SemaphoreType.DMA,
            pltpu.SemaphoreType.DMA,
        ],
    )
    def _alpha_loss_sc(lb_hbm, ub_hbm, tgt_hbm, out_hbm, lb_v, ub_v, tgt_v,
                       res_v, sem0, sem1, sem2):
        c0 = pltpu.async_copy(lb_hbm.at[0], lb_v.at[pl.ds(0, N)], sem0)
        c1 = pltpu.async_copy(ub_hbm.at[0], ub_v.at[pl.ds(0, N)], sem1)
        c2 = pltpu.async_copy(tgt_hbm, tgt_v.at[pl.ds(0, 1)], sem2)
        c0.wait()
        c1.wait()
        c2.wait()

        lb = lb_v[...]
        ub = ub_v[...]
        tgt = tgt_v[...][0]
        lane = lax.iota(jnp.int32, L)

        h = jnp.where(lane < N, ub, 0.0)
        h = jnp.where(lane == tgt, jnp.float32(-(N - 1)) * lb, h)

        for k in (1, 2, 4, 8):
            h = h + h.at[lane ^ k].get(mode="promise_in_bounds")

        res_v[...] = h
        pltpu.sync_copy(res_v.at[pl.ds(0, 1)], out_hbm)

    return _alpha_loss_sc


def kernel(lower_bounds, upper_bounds, target):
    tgt1 = jnp.reshape(jnp.asarray(target, dtype=jnp.int32), (1,))
    out = _build_alpha_loss_sc()(lower_bounds, upper_bounds, tgt1)
    return jnp.reshape(out, ())

# --- scband reference (transcript-rebuilt; emitter-appended) ---
"""Pipeline reference for scband-deep-poly-alpha-loss-36077725287193 (READ-ONLY COPY).

The authoritative reference and input builder live on the scoring server;
editing this copy changes nothing except your own understanding.
"""

import jax, jax.numpy as jnp
import numpy as np


def setup_inputs(seed: int = 0) -> dict:
    key = jax.random.key(seed)
    k1, k2 = jax.random.split(key, 2)
    lower_bounds = jax.random.normal(k1, (1, 10), dtype=jnp.float32)
    upper_bounds = jax.random.normal(k2, (1, 10), dtype=jnp.float32)
    target = 3
    return {"lower_bounds": lower_bounds, "upper_bounds": upper_bounds, "target": target}


def reference(lower_bounds, upper_bounds, target):
    lb = jnp.squeeze(lower_bounds)
    ub = jnp.squeeze(upper_bounds)
    target_lower_bound = lb[target]
    g = jnp.tile(target_lower_bound, 10) - ub
    g = g.at[target].set(0.0)
    return -jnp.sum(g)

if __name__ == "__main__":
    import jax
    _d = setup_inputs()
    print(jax.jit(kernel)(*tuple(_d.values())))

</pallas_src>

<mosaic_0001>
#map = affine_map<(d0, d1) -> (0, 0)>
#map1 = affine_map<(d0, d1) -> (0)>
module attributes {stable_mosaic.version = 14 : i64} {
  func.func @_alpha_loss_sc(%arg0: i32, %arg1: i32, %arg2: memref<1x10xf32, #tpu.memory_space<hbm>>, %arg3: memref<1x10xf32, #tpu.memory_space<hbm>>, %arg4: memref<1xi32, #tpu.memory_space<hbm>>, %arg5: memref<1xf32, #tpu.memory_space<hbm>>, %arg6: memref<16xf32, #tpu.memory_space<vmem>>, %arg7: memref<16xf32, #tpu.memory_space<vmem>>, %arg8: memref<16xi32, #tpu.memory_space<vmem>>, %arg9: memref<16xf32, #tpu.memory_space<vmem>>, %arg10: memref<!tpu.dma_semaphore, #tpu.memory_space<semaphore_mem>>, %arg11: memref<!tpu.dma_semaphore, #tpu.memory_space<semaphore_mem>>, %arg12: memref<!tpu.dma_semaphore, #tpu.memory_space<semaphore_mem>>) attributes {dimension_semantics = [#tpu.dimension_semantics<core_parallel>, #tpu.dimension_semantics<subcore_parallel>], iteration_bounds = array<i64: 1, 1>, scalar_prefetch = 0 : i64, scratch_operands = 7 : i64, tpu.core_type = #tpu.core_type<sc_vector_subcore>, window_params = [{transform_indices = #map}, {transform_indices = #map}, {transform_indices = #map1}, {transform_indices = #map1}]} {
    %dma_start3A = arith.constant 0 : i32
    %dma_start3A_0 = arith.constant 0 : i32
    %dma_start3A_1 = tpu.memref_slice %arg6[%dma_start3A_0] : memref<16xf32, #tpu.memory_space<vmem>> -> memref<10xf32, #tpu.memory_space<vmem>>
    %dma_start3A_2 = arith.constant 0 : i32
    %dma_start3A_3 = tpu.memref_slice %arg2[%dma_start3A, %dma_start3A_2] : memref<1x10xf32, #tpu.memory_space<hbm>> -> memref<1x10xf32, #tpu.memory_space<hbm>>
    %dma_start3A_4 = tpu.memref_squeeze %dma_start3A_3 : memref<1x10xf32, #tpu.memory_space<hbm>> -> memref<10xf32, #tpu.memory_space<hbm>>
    %dma_start3A_5 = arith.constant 0 : i32
    %dma_start3A_6 = tpu.memref_slice %arg6[%dma_start3A_5] : memref<16xf32, #tpu.memory_space<vmem>> -> memref<10xf32, #tpu.memory_space<vmem>>
    %dma_start3A_7 = arith.constant 0 : i32
    %dma_start3A_8 = tpu.memref_slice %arg2[%dma_start3A, %dma_start3A_7] : memref<1x10xf32, #tpu.memory_space<hbm>> -> memref<1x10xf32, #tpu.memory_space<hbm>>
    %dma_start3A_9 = tpu.memref_squeeze %dma_start3A_8 : memref<1x10xf32, #tpu.memory_space<hbm>> -> memref<10xf32, #tpu.memory_space<hbm>>
    tpu.enqueue_dma source(%dma_start3A_9 : memref<10xf32, #tpu.memory_space<hbm>>) target(%dma_start3A_6 : memref<10xf32, #tpu.memory_space<vmem>>) target_semaphore(%arg10 : memref<!tpu.dma_semaphore, #tpu.memory_space<semaphore_mem>>)
    %dma_start3A_10 = arith.constant 0 : i32
    %dma_start3A_11 = arith.constant 0 : i32
    %dma_start3A_12 = tpu.memref_slice %arg7[%dma_start3A_11] : memref<16xf32, #tpu.memory_space<vmem>> -> memref<10xf32, #tpu.memory_space<vmem>>
    %dma_start3A_13 = arith.constant 0 : i32
    %dma_start3A_14 = tpu.memref_slice %arg3[%dma_start3A_10, %dma_start3A_13] : memref<1x10xf32, #tpu.memory_space<hbm>> -> memref<1x10xf32, #tpu.memory_space<hbm>>
    %dma_start3A_15 = tpu.memref_squeeze %dma_start3A_14 : memref<1x10xf32, #tpu.memory_space<hbm>> -> memref<10xf32, #tpu.memory_space<hbm>>
    %dma_start3A_16 = arith.constant 0 : i32
    %dma_start3A_17 = tpu.memref_slice %arg7[%dma_start3A_16] : memref<16xf32, #tpu.memory_space<vmem>> -> memref<10xf32, #tpu.memory_space<vmem>>
    %dma_start3A_18 = arith.constant 0 : i32
    %dma_start3A_19 = tpu.memref_slice %arg3[%dma_start3A_10, %dma_start3A_18] : memref<1x10xf32, #tpu.memory_space<hbm>> -> memref<1x10xf32, #tpu.memory_space<hbm>>
    %dma_start3A_20 = tpu.memref_squeeze %dma_start3A_19 : memref<1x10xf32, #tpu.memory_space<hbm>> -> memref<10xf32, #tpu.memory_space<hbm>>
    tpu.enqueue_dma source(%dma_start3A_20 : memref<10xf32, #tpu.memory_space<hbm>>) target(%dma_start3A_17 : memref<10xf32, #tpu.memory_space<vmem>>) target_semaphore(%arg11 : memref<!tpu.dma_semaphore, #tpu.memory_space<semaphore_mem>>)
    %dma_start3A_21 = arith.constant 0 : i32
    %dma_start3A_22 = tpu.memref_slice %arg8[%dma_start3A_21] : memref<16xi32, #tpu.memory_space<vmem>> -> memref<1xi32, #tpu.memory_space<vmem>>
    %dma_start3A_23 = arith.constant 0 : i32
    %dma_start3A_24 = tpu.memref_slice %arg8[%dma_start3A_23] : memref<16xi32, #tpu.memory_space<vmem>> -> memref<1xi32, #tpu.memory_space<vmem>>
    tpu.enqueue_dma source(%arg4 : memref<1xi32, #tpu.memory_space<hbm>>) target(%dma_start3A_24 : memref<1xi32, #tpu.memory_space<vmem>>) target_semaphore(%arg12 : memref<!tpu.dma_semaphore, #tpu.memory_space<semaphore_mem>>)
    %dma_wait3A = arith.constant 0 : i32
    %dma_wait3A_25 = arith.constant 0 : i32
    %dma_wait3A_26 = tpu.memref_slice %arg6[%dma_wait3A_25] : memref<16xf32, #tpu.memory_space<vmem>> -> memref<10xf32, #tpu.memory_space<vmem>>
    %dma_wait3A_27 = arith.constant 0 : i32
    %dma_wait3A_28 = tpu.memref_slice %arg2[%dma_wait3A, %dma_wait3A_27] : memref<1x10xf32, #tpu.memory_space<hbm>> -> memref<1x10xf32, #tpu.memory_space<hbm>>
    %dma_wait3A_29 = tpu.memref_squeeze %dma_wait3A_28 : memref<1x10xf32, #tpu.memory_space<hbm>> -> memref<10xf32, #tpu.memory_space<hbm>>
    %dma_wait3A_30 = arith.constant 0 : i32
    %dma_wait3A_31 = tpu.memref_slice %arg6[%dma_wait3A_30] : memref<16xf32, #tpu.memory_space<vmem>> -> memref<10xf32, #tpu.memory_space<vmem>>
    %dma_wait3A_32 = arith.constant 0 : i32
    %dma_wait3A_33 = tpu.memref_slice %arg2[%dma_wait3A, %dma_wait3A_32] : memref<1x10xf32, #tpu.memory_space<hbm>> -> memref<1x10xf32, #tpu.memory_space<hbm>>
    %dma_wait3A_34 = tpu.memref_squeeze %dma_wait3A_33 : memref<1x10xf32, #tpu.memory_space<hbm>> -> memref<10xf32, #tpu.memory_space<hbm>>
    tpu.wait_dma2 semaphore(%arg10 : memref<!tpu.dma_semaphore, #tpu.memory_space<semaphore_mem>>) src(%dma_wait3A_34 : memref<10xf32, #tpu.memory_space<hbm>>) dst(%dma_wait3A_31 : memref<10xf32, #tpu.memory_space<vmem>>)
    %dma_wait3A_35 = arith.constant 0 : i32
    %dma_wait3A_36 = arith.constant 0 : i32
    %dma_wait3A_37 = tpu.memref_slice %arg7[%dma_wait3A_36] : memref<16xf32, #tpu.memory_space<vmem>> -> memref<10xf32, #tpu.memory_space<vmem>>
    %dma_wait3A_38 = arith.constant 0 : i32
    %dma_wait3A_39 = tpu.memref_slice %arg3[%dma_wait3A_35, %dma_wait3A_38] : memref<1x10xf32, #tpu.memory_space<hbm>> -> memref<1x10xf32, #tpu.memory_space<hbm>>
    %dma_wait3A_40 = tpu.memref_squeeze %dma_wait3A_39 : memref<1x10xf32, #tpu.memory_space<hbm>> -> memref<10xf32, #tpu.memory_space<hbm>>
    %dma_wait3A_41 = arith.constant 0 : i32
    %dma_wait3A_42 = tpu.memref_slice %arg7[%dma_wait3A_41] : memref<16xf32, #tpu.memory_space<vmem>> -> memref<10xf32, #tpu.memory_space<vmem>>
    %dma_wait3A_43 = arith.constant 0 : i32
    %dma_wait3A_44 = tpu.memref_slice %arg3[%dma_wait3A_35, %dma_wait3A_43] : memref<1x10xf32, #tpu.memory_space<hbm>> -> memref<1x10xf32, #tpu.memory_space<hbm>>
    %dma_wait3A_45 = tpu.memref_squeeze %dma_wait3A_44 : memref<1x10xf32, #tpu.memory_space<hbm>> -> memref<10xf32, #tpu.memory_space<hbm>>
    tpu.wait_dma2 semaphore(%arg11 : memref<!tpu.dma_semaphore, #tpu.memory_space<semaphore_mem>>) src(%dma_wait3A_45 : memref<10xf32, #tpu.memory_space<hbm>>) dst(%dma_wait3A_42 : memref<10xf32, #tpu.memory_space<vmem>>)
    %dma_wait3A_46 = arith.constant 0 : i32
    %dma_wait3A_47 = tpu.memref_slice %arg8[%dma_wait3A_46] : memref<16xi32, #tpu.memory_space<vmem>> -> memref<1xi32, #tpu.memory_space<vmem>>
    %dma_wait3A_48 = arith.constant 0 : i32
    %dma_wait3A_49 = tpu.memref_slice %arg8[%dma_wait3A_48] : memref<16xi32, #tpu.memory_space<vmem>> -> memref<1xi32, #tpu.memory_space<vmem>>
    tpu.wait_dma2 semaphore(%arg12 : memref<!tpu.dma_semaphore, #tpu.memory_space<semaphore_mem>>) src(%arg4 : memref<1xi32, #tpu.memory_space<hbm>>) dst(%dma_wait3A_49 : memref<1xi32, #tpu.memory_space<vmem>>)
    %get3A = arith.constant 0 : index
    %get3A_50 = tpu.vector_load %arg6[%get3A] {strides = array<i32>} : memref<16xf32, #tpu.memory_space<vmem>>, vector<16xf32>,
    %get3A_51 = vector.shape_cast %get3A_50 : vector<16xf32> to vector<16xf32>
    %get3A_52 = arith.constant 0 : index
    %get3A_53 = tpu.vector_load %arg7[%get3A_52] {strides = array<i32>} : memref<16xf32, #tpu.memory_space<vmem>>, vector<16xf32>,
    %get3A_54 = vector.shape_cast %get3A_53 : vector<16xf32> to vector<16xf32>
    %get3A_55 = arith.constant 0 : index
    %get3A_56 = tpu.vector_load %arg8[%get3A_55] {strides = array<i32>} : memref<16xi32, #tpu.memory_space<vmem>>, vector<16xi32>,
    %get3A_57 = vector.shape_cast %get3A_56 : vector<16xi32> to vector<16xi32>
    %slice3A = vector.extract_strided_slice %get3A_57 {offsets = [0], sizes = [1], strides = [1]} : vector<16xi32> to vector<1xi32>
    %squeeze3A = vector.extract %slice3A[0] : i32 from vector<1xi32>
    %iota3A = tpu.iota {dimensions = array<i32: 0>} : vector<16xi32>
    %lt3A = arith.constant 10 : i32
    %lt3A_58 = vector.broadcast %lt3A : i32 to vector<16xi32>
    %lt3A_59 = arith.cmpi slt, %iota3A, %lt3A_58 : vector<16xi32>
    %jit3A = arith.constant 0.000000e+00 : f32
    %broadcast_in_dim3A = vector.broadcast %jit3A : f32 to vector<16xf32>
    %select_n3A = arith.select %lt3A_59, %get3A_54, %broadcast_in_dim3A : vector<16xi1>, vector<16xf32>
    %eq3A = vector.broadcast %squeeze3A : i32 to vector<16xi32>
    %eq3A_60 = arith.cmpi eq, %iota3A, %eq3A : vector<16xi32>
    %mul3A = arith.constant -9.000000e+00 : f32
    %mul3A_61 = vector.broadcast %mul3A : f32 to vector<16xf32>
    %mul3A_62 = arith.mulf %mul3A_61, %get3A_51 : vector<16xf32>
    %select_n3A_63 = arith.select %eq3A_60, %mul3A_62, %select_n3A : vector<16xi1>, vector<16xf32>
    %xor3A = arith.constant 1 : i32
    %xor3A_64 = vector.broadcast %xor3A : i32 to vector<16xi32>
    %xor3A_65 = arith.xori %iota3A, %xor3A_64 : vector<16xi32>
    %lt3A_66 = arith.constant 0 : i32
    %lt3A_67 = vector.broadcast %lt3A_66 : i32 to vector<16xi32>
    %lt3A_68 = arith.cmpi slt, %xor3A_65, %lt3A_67 : vector<16xi32>
    %add3A = arith.constant 16 : i32
    %add3A_69 = vector.broadcast %add3A : i32 to vector<16xi32>
    %add3A_70 = arith.addi %xor3A_65, %add3A_69 : vector<16xi32>
    %select_n3A_71 = arith.select %lt3A_68, %add3A_70, %xor3A_65 : vector<16xi1>, vector<16xi32>
    %broadcast_in_dim3A_72 = vector.shape_cast %select_n3A_71 : vector<16xi32> to vector<16x1xi32>
    %gather3A = vector.shape_cast %broadcast_in_dim3A_72 : vector<16x1xi32> to vector<16xi32>
    %gather3A_73 = tpu.dynamic_gather %select_n3A_63[%gather3A] in [0] : vector<16xf32>, vector<16xi32> -> vector<16xf32>
    %add3A_74 = arith.addf %select_n3A_63, %gather3A_73 : vector<16xf32>
    %xor3A_75 = arith.constant 2 : i32
    %xor3A_76 = vector.broadcast %xor3A_75 : i32 to vector<16xi32>
    %xor3A_77 = arith.xori %iota3A, %xor3A_76 : vector<16xi32>
    %lt3A_78 = arith.constant 0 : i32
    %lt3A_79 = vector.broadcast %lt3A_78 : i32 to vector<16xi32>
    %lt3A_80 = arith.cmpi slt, %xor3A_77, %lt3A_79 : vector<16xi32>
    %add3A_81 = arith.constant 16 : i32
    %add3A_82 = vector.broadcast %add3A_81 : i32 to vector<16xi32>
    %add3A_83 = arith.addi %xor3A_77, %add3A_82 : vector<16xi32>
    %select_n3A_84 = arith.select %lt3A_80, %add3A_83, %xor3A_77 : vector<16xi1>, vector<16xi32>
    %broadcast_in_dim3A_85 = vector.shape_cast %select_n3A_84 : vector<16xi32> to vector<16x1xi32>
    %gather3A_86 = vector.shape_cast %broadcast_in_dim3A_85 : vector<16x1xi32> to vector<16xi32>
    %gather3A_87 = tpu.dynamic_gather %add3A_74[%gather3A_86] in [0] : vector<16xf32>, vector<16xi32> -> vector<16xf32>
    %add3A_88 = arith.addf %add3A_74, %gather3A_87 : vector<16xf32>
    %xor3A_89 = arith.constant 4 : i32
    %xor3A_90 = vector.broadcast %xor3A_89 : i32 to vector<16xi32>
    %xor3A_91 = arith.xori %iota3A, %xor3A_90 : vector<16xi32>
    %lt3A_92 = arith.constant 0 : i32
    %lt3A_93 = vector.broadcast %lt3A_92 : i32 to vector<16xi32>
    %lt3A_94 = arith.cmpi slt, %xor3A_91, %lt3A_93 : vector<16xi32>
    %add3A_95 = arith.constant 16 : i32
    %add3A_96 = vector.broadcast %add3A_95 : i32 to vector<16xi32>
    %add3A_97 = arith.addi %xor3A_91, %add3A_96 : vector<16xi32>
    %select_n3A_98 = arith.select %lt3A_94, %add3A_97, %xor3A_91 : vector<16xi1>, vector<16xi32>
    %broadcast_in_dim3A_99 = vector.shape_cast %select_n3A_98 : vector<16xi32> to vector<16x1xi32>
    %gather3A_100 = vector.shape_cast %broadcast_in_dim3A_99 : vector<16x1xi32> to vector<16xi32>
    %gather3A_101 = tpu.dynamic_gather %add3A_88[%gather3A_100] in [0] : vector<16xf32>, vector<16xi32> -> vector<16xf32>
    %add3A_102 = arith.addf %add3A_88, %gather3A_101 : vector<16xf32>
    %xor3A_103 = arith.constant 8 : i32
    %xor3A_104 = vector.broadcast %xor3A_103 : i32 to vector<16xi32>
    %xor3A_105 = arith.xori %iota3A, %xor3A_104 : vector<16xi32>
    %lt3A_106 = arith.constant 0 : i32
    %lt3A_107 = vector.broadcast %lt3A_106 : i32 to vector<16xi32>
    %lt3A_108 = arith.cmpi slt, %xor3A_105, %lt3A_107 : vector<16xi32>
    %add3A_109 = arith.constant 16 : i32
    %add3A_110 = vector.broadcast %add3A_109 : i32 to vector<16xi32>
    %add3A_111 = arith.addi %xor3A_105, %add3A_110 : vector<16xi32>
    %select_n3A_112 = arith.select %lt3A_108, %add3A_111, %xor3A_105 : vector<16xi1>, vector<16xi32>
    %broadcast_in_dim3A_113 = vector.shape_cast %select_n3A_112 : vector<16xi32> to vector<16x1xi32>
    %gather3A_114 = vector.shape_cast %broadcast_in_dim3A_113 : vector<16x1xi32> to vector<16xi32>
    %gather3A_115 = tpu.dynamic_gather %add3A_102[%gather3A_114] in [0] : vector<16xf32>, vector<16xi32> -> vector<16xf32>
    %add3A_116 = arith.addf %add3A_102, %gather3A_115 : vector<16xf32>
    %swap3A = arith.constant 0 : index
    %swap3A_117 = tpu.vector_load %arg9[%swap3A] {strides = array<i32>} : memref<16xf32, #tpu.memory_space<vmem>>, vector<16xf32>,
    %swap3A_118 = vector.shape_cast %swap3A_117 : vector<16xf32> to vector<16xf32>
    %swap3A_119 = vector.shape_cast %add3A_116 : vector<16xf32> to vector<16xf32>
    tpu.vector_store %arg9[%swap3A], %swap3A_119 {strides = array<i32>} : memref<16xf32, #tpu.memory_space<vmem>>, vector<16xf32>,
    "tpu.region"() ({
      %run_scoped3A = tpu.sem_alloc : memref<!tpu.dma_semaphore, #tpu.memory_space<semaphore_mem>>
      %dma_start3A_120 = arith.constant 0 : i32
      %dma_start3A_121 = tpu.memref_slice %arg9[%dma_start3A_120] : memref<16xf32, #tpu.memory_space<vmem>> -> memref<1xf32, #tpu.memory_space<vmem>>
      %dma_start3A_122 = arith.constant 0 : i32
      %dma_start3A_123 = tpu.memref_slice %arg9[%dma_start3A_122] : memref<16xf32, #tpu.memory_space<vmem>> -> memref<1xf32, #tpu.memory_space<vmem>>
      tpu.enqueue_dma source(%dma_start3A_123 : memref<1xf32, #tpu.memory_space<vmem>>) target(%arg5 : memref<1xf32, #tpu.memory_space<hbm>>) target_semaphore(%run_scoped3A : memref<!tpu.dma_semaphore, #tpu.memory_space<semaphore_mem>>)
      %dma_wait3A_124 = arith.constant 0 : i32
      %dma_wait3A_125 = tpu.memref_slice %arg9[%dma_wait3A_124] : memref<16xf32, #tpu.memory_space<vmem>> -> memref<1xf32, #tpu.memory_space<vmem>>
      %dma_wait3A_126 = arith.constant 0 : i32
      %dma_wait3A_127 = tpu.memref_slice %arg9[%dma_wait3A_126] : memref<16xf32, #tpu.memory_space<vmem>> -> memref<1xf32, #tpu.memory_space<vmem>>
      tpu.wait_dma2 semaphore(%run_scoped3A : memref<!tpu.dma_semaphore, #tpu.memory_space<semaphore_mem>>) src(%dma_wait3A_127 : memref<1xf32, #tpu.memory_space<vmem>>) dst(%arg5 : memref<1xf32, #tpu.memory_space<hbm>>)
      tpu.yield
    }) : () -> ()
    return
  }
}

</mosaic_0001>

<sc_bundles>
// kernel: kernel.3.cloned.1.call-start
scs
__scs_entry_jumppad:
0x0: {  	(pc) =	sbr.rel $0x88, $3  }
0x1: {  	(tag) =	ssettag $0x0;
	lr =	simm.s32 $0x1  }
0x2: {  	[smem:$0x3F9E] =	sst lr;
	_ =	strace $0xD0000000  }
0x3: {  	_ = 	snop  }
0x4: {  	_ = 	snop  }
0x5: {  	_ = 	snop  }
0x6: {  	_ = 	snop  }
0x7: {  	_ = 	snop  }
__scs_overlays_trampoline_lowered:
0x8: {  	[smem:$0x3FAD] =	sst s0  }
0x9: {  	[smem:$0x3FAE] =	sst s1  }
0xa: {  	[smem:$0x3FAF] =	sst s2  }
0xb: {  	[smem:$0x3FB0] =	sst s3  }
0xc: {  	[smem:$0x3FB1] =	sst s4  }
0xd: {  	[smem:$0x3FB2] =	sst s5  }
0xe: {  	[smem:$0x3FB3] =	sst s6  }
0xf: {  	[smem:$0x3FB4] =	sst s7  }
0x10: {  	[smem:$0x3FB5] =	sst s8  }
0x11: {  	[smem:$0x3FB6] =	sst s9;
	s0 =	simm.s32 @!p0 $0x0  }
0x12: {  	s1 =	sld [smem:$0x3F9C];
	s0 =	simm.s32 @p0 $0x1  }
0x13: {  	[smem:$0x3FB7] =	sst s0;
	s0 =	simm.s32 @!p1 $0x0  }
0x14: {  	s2 =	sld [smem:$0x3F9B];
	s0 =	simm.s32 @p1 $0x1  }
0x15: {  	[smem:$0x3FB8] =	sst s0;
	s0 =	simm.s32 @!p2 $0x0  }
0x16: {  	s3 =	sld [smem:$0x3FDB];
	s0 =	simm.s32 @p2 $0x1  }
0x17: {  	s4 =	simm.s32 $0x1BF5;
	[smem:$0x3FBA] =	sst s0  }
0x18: {  	s0 =	sld [smem:$0x3F9D];
	_ =	swait.ge [sflag:s4], $0x0  }
0x19: {  	s7 =	sld [smem:$0x3F9E]  }
0x1a: {  	s8 =	sadd.s32 $0xFFFFE003, lr  }
0x1b: {  	s9 =	sadd.s32 $0xFFFFFEF7, lr;
	s5 =	simm.s32 $0xFFFFFFFF;
	p2 =	slt.u32 s8, $0xFFFFF086  }
0x1c: {  	p1 =	slt.u32 s9, $0xF7A;
	s5 =	simm.s32 @!p2 $0x0  }
0x1d: {  	s5 =	simm.s32 @p1 $0x1;
	p0 =	seq.s32 s7, s2  }
0x1e: {  	s7 =	smul.u32 @!p0 $0xF7A, s2;
	p2 =	seq.s32 @!p0 s5, $0x0  }
0x1f: {  	s9 =	smul.u32 $0xF7A, s1;
	s8 =	simm.s32 @!p0 $0x1BF5;
	p2 =	por !p2, p0  }
0x20: {  	[sflag:s8] =	ssyncset.s32 @!p0 $0xFFFFF086;
	s6 =	sadd.s32 @!p0 s3, s7;
	s7 =	simm.s32 @!p0 $0x108  }
0x21: {  	s3 =	sadd.s32 s3, s9;
	s6 =	sadd.s32 @!p0 $0x88, s6;
	s7 =	simm.s32 @p2 $0x1082  }
0x22: {  	[simem:s7], [sflag:s8] =	dma.local @!p0 [hbm:s6], $0xF7A  }
0x23: {  	s9 =	sor.u32 $0xD0000000, s2;
	s6 =	simm.s32 $0x108;
	_ =	swait.ge @!p0 [sflag:s8], $0x0  }
0x24: {  	s3 =	sadd.s32 $0x88, s3;
	s6 =	simm.s32 @!p1 $0x1082;
	[sflag:s4] =	ssyncset.s32 $0xFFFFF086  }
0x25: {  	[simem:s6], [sflag:s4] =	dma.local [hbm:s3], $0xF7A  }
0x26: {  	[smem:$0x3F9E] =	sst s1;
	(tag) =	ssettag s2;
	_ =	strace s9  }
0x27: {  	s1 =	sld [smem:$0x3FAE]  }
0x28: {  	s2 =	sld [smem:$0x3FAF]  }
0x29: {  	s4 =	sld [smem:$0x3FB1]  }
0x2a: {  	p0 =	seq.s32 s5, $0x0;
	s5 =	sld [smem:$0x3FB2]  }
0x2b: {  	s6 =	sld [smem:$0x3FB3]  }
0x2c: {  	s7 =	sld [smem:$0x3FB4]  }
0x2d: {  	s3 =	simm.s32 $0x108;
	s8 =	sld [smem:$0x3FB5]  }
0x2e: {  	s3 =	simm.s32 @!p0 $0x1082;
	s9 =	sld [smem:$0x3FB6]  }
0x2f: {  	lr =	sadd.s32 s0, s3;
	s0 =	sld [smem:$0x3FAD]  }
0x30: {  	s3 =	sld [smem:$0x3FB0]  }
0x31: {  	[smem:$0x3FB9] =	sst s10  }
0x32: {  	s10 =	sld [smem:$0x3FB7];
	_ =	sdelay $0x3  }
0x33: {  	p0 =	seq.s32 s10, $0x1;
	s10 =	sld [smem:$0x3FB9];
	_ =	sdelay $0x3  }
0x34: {  	[smem:$0x3FB9] =	sst s10  }
0x35: {  	s10 =	sld [smem:$0x3FB8];
	_ =	sdelay $0x3  }
0x36: {  	p1 =	seq.s32 s10, $0x1;
	s10 =	sld [smem:$0x3FB9];
	_ =	sdelay $0x3  }
0x37: {  	[smem:$0x3FB9] =	sst s10  }
0x38: {  	s10 =	sld [smem:$0x3FBA]  }
0x39: {  	_ = 	snop;
	(pc) =	sbr.ind lr, $3  }
0x3a: {  	_ = 	snop  }
0x3b: {  	_ = 	snop  }
0x3c: {  	p2 =	seq.s32 s10, $0x1;
	s10 =	sld [smem:$0x3FB9]  }
0x3d: {  	_ =	shalt  }
0x3e: {  	_ =	shalt  }
0x3f: {  	_ =	shalt  }
0x40: {  	_ =	shalt  }
0x41: {  	_ =	shalt  }
0x42: {  	_ =	shalt  }
0x43: {  	_ =	shalt  }
0x44: {  	_ =	shalt  }
0x45: {  	_ =	shalt  }
0x46: {  	_ =	shalt  }
0x47: {  	_ =	shalt  }
0x48: {  	_ =	shalt  }
0x49: {  	_ =	shalt  }
0x4a: {  	_ =	shalt  }
0x4b: {  	_ =	shalt  }
0x4c: {  	_ =	shalt  }
0x4d: {  	_ =	shalt  }
0x4e: {  	_ =	shalt  }
0x4f: {  	_ =	shalt  }
0x50: {  	_ =	shalt  }
0x51: {  	_ =	shalt  }
0x52: {  	_ =	shalt  }
0x53: {  	_ =	shalt  }
0x54: {  	_ =	shalt  }
0x55: {  	_ =	shalt  }
0x56: {  	_ =	shalt  }
0x57: {  	_ =	shalt  }
0x58: {  	_ =	shalt  }
0x59: {  	_ =	shalt  }
0x5a: {  	_ =	shalt  }
0x5b: {  	_ =	shalt  }
0x5c: {  	_ =	shalt  }
0x5d: {  	_ =	shalt  }
0x5e: {  	_ =	shalt  }
0x5f: {  	_ =	shalt  }
0x60: {  	_ =	shalt  }
0x61: {  	_ =	shalt  }
0x62: {  	_ =	shalt  }
0x63: {  	_ =	shalt  }
0x64: {  	_ =	shalt  }
0x65: {  	_ =	shalt  }
0x66: {  	_ =	shalt  }
0x67: {  	_ =	shalt  }
0x68: {  	_ =	shalt  }
0x69: {  	_ =	shalt  }
0x6a: {  	_ =	shalt  }
0x6b: {  	_ =	shalt  }
0x6c: {  	_ =	shalt  }
0x6d: {  	_ =	shalt  }
0x6e: {  	_ =	shalt  }
0x6f: {  	_ =	shalt  }
0x70: {  	_ =	shalt  }
0x71: {  	_ =	shalt  }
0x72: {  	_ =	shalt  }
0x73: {  	_ =	shalt  }
0x74: {  	_ =	shalt  }
0x75: {  	_ =	shalt  }
0x76: {  	_ =	shalt  }
0x77: {  	_ =	shalt  }
0x78: {  	_ =	shalt  }
0x79: {  	_ =	shalt  }
0x7a: {  	_ =	shalt  }
0x7b: {  	_ =	shalt  }
0x7c: {  	_ =	shalt  }
0x7d: {  	_ =	shalt  }
0x7e: {  	_ =	shalt  }
0x7f: {  	_ =	shalt  }
0x80: {  	_ =	shalt  }
0x81: {  	_ =	shalt  }
0x82: {  	_ =	shalt  }
0x83: {  	_ =	shalt  }
0x84: {  	_ =	shalt  }
0x85: {  	_ =	shalt  }
0x86: {  	_ =	shalt  }
0x87: {  	_ =	shalt  }
.Lfunc_end0:
.L_simem_size_0:
called_computation_lowered:
.L_overlay_start_0:
0x88: {  	s0 =	sld [smem:$0x3FD9]  }
0x89: {  	s1 =	sld [smem:$0x3FFE];
	_ =	sdelay $0x3  }
0x8a: {  	s0 =	sadd.s32 s1, s0  }
0x8b: {  	[smem:$0x3FC5] =	sst s0  }
0x8c: {  	_ = 	snop  }
0x8d: {  	s0 =	sld [smem:$0x3FC9]  }
0x8e: {  	s17 =	sld [smem:$0x3FC8]  }
0x8f: {  	s2 =	sld [smem:$0x3FC7]  }
0x90: {  	s3 =	sld [smem:$0x3FD0];
	(tm) =	ssettm $0x1  }
0x91: {  	s4 =	sld [smem:$0x3FFB];
	_ =	sdelay $0x3  }
0x92: {  	_ =	strace s4  }
0x93: {  	s4 =	sld [smem:$0x3FFC];
	_ =	sdelay $0x3  }
0x94: {  	_ =	strace s4  }
0x95: {  	s4 =	sld [smem:$0x3FFD];
	_ =	sdelay $0x3  }
0x96: {  	_ =	strace s4  }
0x97: {  	_ =	strace $0x8FFFFFFF  }
0x98: {  	s18 =	sld [smem:$0x3FDB];
	_ =	sdelay $0x1  }
0x99: {  	s5 =	simm.s32 $_scs_section_size  }
0x9a: {  	s6 =	simm.s32 $_size__tile_overlayer_lowered;
	s7 =	simm.s32 $_tile_overlayer_lowered  }
0x9b: {  	s21 =	simm.s32 $0x1BFF;
	s20 =	sshll.u32 s7, $0x1;
	s4 =	sadd.s32 s5, s18  }
0x9c: {  	s8 =	simm.s32 $0x0;
	s19 =	sshll.u32 s6, $0x1;
	s6 =	sadd.s32 s20, s4  }
0x9d: {  	[timem:s8], [sflag:s21] =	dma.local [hbm:s6], s19  }
0x9e: {  	_ =	swait.ge [sflag:s21], s19  }
0x9f: {  	s5 =	ssub.s32 $0x0, s19;
	[sflag:s21] =	ssyncset.done $0x0  }
0xa0: {  	[sflag:s21] =	ssyncadd.s32 s5;
	_ =	sdelay $0x1  }
0xa1: {  	s22 =	simm.s32 $0x1B8B  }
0xa2: {  	_ =	swait.ge [sflag:s22], $0x1  }
0xa3: {  	[sflag:s22] =	ssyncset.done $0x0  }
0xa4: {  	s23 =	simm.s32 $0x1B8E;
	[sflag:s22] =	ssyncadd.s32 $0xFFFFFFFF  }
0xa5: {  	s24 =	simm.s32 $execute0_lowered;
	[smem:$0x3FD2] =	sst s23  }
0xa6: {  	s5 =	sshll.u32 s24, $0x1;
	_ =	strace $0x80000046;
	[dreg:$0x1] =	wrdreg $0xFFFFFFFF  }
0xa7: {  	s25 =	simm.s32 $_size_execute0_lowered;
	s4 =	sadd.s32 s4, s5;
	[dreg:$0x0] =	wrdreg $0x0  }
0xa8: {  	s5 =	sshll.u32 s25, $0x1;
	[dreg:$0x2] =	wrdreg s4  }
0xa9: {  	[dreg:$0x3] =	wrdreg s5  }
0xaa: {  	[dreg:$0x4] =	wrdreg $0xC0  }
0xab: {  	_ =	task [dreg:s8], $0x5FFFF  }
0xac: {  	[dreg:$0x1] =	wrdreg $0xFFFFFFFF  }
0xad: {  	[dreg:$0x0] =	wrdreg $0x60  }
0xae: {  	[dreg:$0x2] =	wrdreg s0  }
0xaf: {  	[dreg:$0x3] =	wrdreg s17  }
0xb0: {  	[dreg:$0x4] =	wrdreg s2  }
0xb1: {  	[dreg:$0x5] =	wrdreg s3  }
0xb2: {  	[dreg:$0x6] =	wrdreg $0x9  }
0xb3: {  	_ =	task.clear_ibuf [dreg:s8], $0x7FFFF;
	_ =	strace $0x90000046  }
0xb4: {  	s26 =	simm.s32 $0x9;
	_ =	strace $0x80000048  }
0xb5: {  	_ =	swait.ge [sflag:s26], $0x1  }
0xb6: {  	[sflag:s26] =	ssyncadd.s32 $0xFFFFFFFF  }
0xb7: {  	_ =	strace $0x90000048  }
0xb8: {  	_ =	sfence  }
0xb9: {  	s28 =	sld [smem:$0x0];
	_ =	sdelay $0x1  }
0xba: {  	s29 =	srdreg.scid  }
0xbb: {  	s30 =	sshll.u32 s29, $0xD;
	s31 =	sshrl.u32 s29, $0x2  }
0xbc: {  	s1 =	sand.u32 $0x1, s29;
	s2 =	sand.u32 $0x4000, s30;
	s0 =	sadd.s32 s31, s28  }
0xbd: {  	s1 =	sor.u32 s2, s1;
	s0 =	sshll.u32 s0, $0x11  }
0xbe: {  	s0 =	sor.u32 s0, s1  }
0xbf: {  	s0 =	sadd.s32 $0x8F2B, s0  }
0xc0: {  	[sflag:s0] =	ssyncadd.remote.s32 $0x1  }
0xc1: {  	_ =	sfence.sel $0xFFFF  }
0xc2: {  	[dreg:$0x0] =	wrdreg $0xFFFFFFFF;
	(pc) =	sbr.abs _section_cstart, $3  }
0xc3: {  	[dreg:$0x1] =	wrdreg $0xFFFFFFFF  }
0xc4: {  	_ =	task.clear_ibuf [dreg:s8], $0x2FFFF;
	_ =	strace $0x9FFFFFFF  }
0xc5: {  	(tm) =	ssettm $0x7FFFFFFF  }
tec
execute0_lowered:
.L_overlay_start_1:
0x0: {  	(tag) =	ssettag $0x1  }
0x1: {  	s2 =	stileid.u32  }
0x2: {  	p0 =	sne.s32 s2, $0x0  }
.Ltmp0:
0x3: {  	s5 =	rddreg [dreg:$0x0];
	(pc) =	sbr.rel @p0 .LBB2_2-.Ltmp0, $4  }
0x4: {  	s4 =	rddreg [dreg:$0x1]  }
0x5: {  	s3 =	rddreg [dreg:$0x2]  }
0x6: {  	s1 =	rddreg [dreg:$0x3]  }
0x7: {  	s0 =	rddreg [dreg:$0x4];
	_ =	strace $0x80000047  }
0x8: {  	s2 =	simm.s32 $0x0  }
0x9: {  	[tilespmem:s2], [sflag:$0x1] =	stream.linear.gather [hbm4b:s5+s2], $0xA, $0x38;
	[tilespmem:$0x200] =	vst v63  }
0xa: {  	s24 =	simm.s32 $0x80  }
0xb: {  	[tilespmem:s24], [sflag:$0x2] =	stream.linear.gather [hbm4b:s4+s2], $0xA, $0x38;
	[tilespmem:$0x200] =	vst v63  }
0xc: {  	s25 =	simm.s32 $0x100;
	s26 =	simm.s32 $0x1  }
0xd: {  	[tilespmem:s25], [sflag:$0x3] =	stream.linear.gather [hbm4b:s3+s2], $0x1, $0x38;
	[tilespmem:$0x200] =	vst v63  }
0xe: {  	_ =	swait.ge [sflag:s26], $0xA  }
0xf: {  	[sflag:s26] =	ssyncset.done $0x0  }
0x10: {  	s28 =	simm.s32 $0x2;
	[sflag:s26] =	ssyncadd.s32 $0xFFFFFFF6  }
0x11: {  	_ =	swait.ge [sflag:s28], $0xA  }
0x12: {  	[sflag:s28] =	ssyncset.done $0x0  }
0x13: {  	s29 =	simm.s32 $0x3;
	[sflag:s28] =	ssyncadd.s32 $0xFFFFFFF6  }
0x14: {  	_ =	swait.ge [sflag:s29], $0x1  }
0x15: {  	[sflag:s29] =	ssyncset.done $0x0  }
0x16: {  	[sflag:s29] =	ssyncadd.s32 $0xFFFFFFFF  }
0x17: {  	v0 =	vld [tilespmem:$0x0]  }
0x18: {  	v1 =	vld [tilespmem:$0x80]  }
0x19: {  	v3 =	vimm.s32 $0xEFCDAB89;
	v4 =	vimm.s32 $0x67452301;
	v2 =	vld.msk [tilespmem:$0x100 ss:$0x0], $0xffff  }
0x1a: {  	v3 =	vunpack.c.l.s4.s8 v3;
	v4 =	vunpack.c.l.s4.s8 v4  }
0x1b: {  	vm0 =	vmmov $0x3ff;
	v5 =	vlaneseq.u32;
	v52 =	vimm.s32 $0xDCFE98BA  }
0x1c: {  	v53 =	vimm.s32 $0x54761032;
	v3 =	vunpack.c.0.s8.s32 v3;
	v4 =	vunpack.c.0.s8.s32 v4  }
0x1d: {  	v54 =	vunpack.c.l.s4.s8 v52;
	v55 =	vunpack.c.l.s4.s8 v53;
	v0 =	vmul.f32 $-9.000000000e+00, v0  }
0x1e: {  	v51 =	vcombine.low v4, v3;
	v1 =	vnsel vm0, $0x0, v1;
	vm15 =	veq.s32 v2, v5  }
0x1f: {  	v3 =	vunpack.c.0.s8.s32 v55;
	v0 =	vsel vm15, v0, v1;
	v1 =	vunpack.c.0.s8.s32 v54  }
0x20: {  	v2 =	vperm.xlane v0, v51  }
0x21: {  	v56 =	vimm.s32 $0xBA98FEDC;
	v57 =	vimm.s32 $0x32107654;
	v1 =	vcombine.low v3, v1  }
0x22: {  	v3 =	vunpack.c.l.s4.s8 v57;
	v0 =	vadd.f32 v0, v2;
	v2 =	vunpack.c.l.s4.s8 v56  }
0x23: {  	v58 =	vimm.s32 $0xFEDCBA98  }
0x24: {  	v3 =	vunpack.c.0.s8.s32 v3;
	v1 =	vperm.xlane v0, v1;
	v2 =	vunpack.c.0.s8.s32 v2  }
0x25: {  	v59 =	vimm.s32 $0x76543210;
	v4 =	vunpack.c.l.s4.s8 v58  }
0x26: {  	v61 =	vunpack.c.l.s4.s8 v59;
	v0 =	vadd.f32 v0, v1;
	v60 =	vcombine.low v3, v2  }
0x27: {  	v62 =	vunpack.c.0.s8.s32 v4  }
0x28: {  	v2 =	vunpack.c.0.s8.s32 v61;
	v1 =	vperm.xlane v0, v60  }
0x29: {  	v3 =	vand.u32 $0xF, v62  }
0x2a: {  	v63 =	vcombine.low v3, v2;
	v0 =	vadd.f32 v0, v1;
	_ =	sdelay $0x1  }
0x2b: {  	v1 =	vperm.xlane v0, v63;
	_ =	sdelay $0x1  }
0x2c: {  	v0 =	vadd.f32 v0, v1;
	_ =	sdelay $0x1  }
0x2d: {  	s30 =	simm.s32 $0x180;
	s31 =	simm.s32 $0x4;
	[tilespmem:$0x180] =	vst v0  }
0x2e: {  	[hbm4b:s1+s2] =	stream.linear.scatter [tilespmem:s30], [sflag:$0x4], $0x1, $0x38;
	[tilespmem:$0x200] =	vst v63  }
0x2f: {  	_ =	swait.ge [sflag:s31], $0x1  }
0x30: {  	[sflag:s31] =	ssyncset.done $0x0  }
0x31: {  	[sflag:s31] =	ssyncadd.s32 $0xFFFFFFFF  }
.LBB2_2:
0x32: {  	_ =	sfence.sel $0x180000  }
0x33: {  	[bflag:$0x0] =	sbarrier.arrive $0xFFFF  }
0x34: {  	_ =	strace $0x90000047  }
0x35: {  	s0 =	sadd.s32 @!p0 $0x100000, s0;
	[bflag:$0x2] =	sbarrier.arrive $0xFFFF  }
0x36: {  	[sflag:s0] =	ssyncadd.tile.s32 @!p0 $0x1;
	_ =	shalt  }
.Lfunc_end2:
_tile_overlayer_lowered:
.L_overlay_start_2:
0x37: {  	(tag) =	ssettag $0x2  }
0x38: {  	s0 =	rddreg [dreg:$0x0];
	s2 =	stileid.u32  }
0x39: {  	s1 =	rddreg [dreg:$0x1];
	p0 =	sne.s32 s2, $0x0  }
0x3a: {  	s3 =	rddreg [dreg:$0x2];
	[bflag:$0x3] =	sbarrier.arrive $0xFFFF;
	s2 =	simm.s32 @!p0 $0x1C04  }
0x3b: {  	[timem:s3], [sflag:s2] =	dma.local @!p0 [hbm:s0], s1  }
0x3c: {  	s0 =	simm.s32 @!p0 $0x4  }
0x3d: {  	_ =	swait.ge @!p0 [sflag:s0], s1  }
0x3e: {  	s1 =	ssub.s32 @!p0 $0x0, s1;
	[sflag:s0] =	ssyncset.done @!p0 $0x0  }
0x3f: {  	[sflag:s0] =	ssyncadd.s32 @!p0 s1  }
0x40: {  	[bflag:$0x3] =	sbarrier.arrive $0xFFFF  }
0x41: {  	_ =	shalt  }

</sc_bundles>
